<compile_context>
chip_gen: v7x
topology: tpu7x:2x2x1
jax: 0.10.2.dev20260603
libtpu: 0.0.44.dev20260713+nightly
codegen_flags: <defaults>
</compile_context>

<pallas_src>
import functools

import jax
import jax.numpy as jnp
from jax import lax
from jax.experimental import pallas as pl
from jax.experimental.pallas import tpu as pltpu
from jax.experimental.pallas import tpu_sc as plsc

N = 4096
D_X = 128
D_Y = 2
K = 2500
K_PAD = 2560
KT = K_PAD // 128
N_BLK = 512
N_GRID = N // N_BLK
A_PAD = 2.0e18
U_COLS = 128


def _prep_body(b_ref, ap_ref, u_ref, w_ref, a_ref, t_ref):
    j = pl.program_id(0)
    lane = lax.broadcasted_iota(jnp.int32, (1, 128), 1)
    valid = (j * 128 + lane) < K
    for d in range(D_Y):
        w_ref[d] = jnp.where(valid, jnp.transpose(b_ref[:, d, :], (1, 0)), 0.0)
        a_ref[d] = jnp.where(valid, jnp.transpose(ap_ref[:, d:d + 1], (1, 0)),
                             A_PAD)
    li = lax.broadcasted_iota(jnp.int32, (128, U_COLS), 1)
    t_ref[...] = jnp.where(li == 0, u_ref[:, 0:1],
                           jnp.where(li == 1, u_ref[:, 1:2], 0.0))


def _prep(B, A, u_grid):
    return pl.pallas_call(
        _prep_body,
        grid=(KT,),
        in_specs=[
            pl.BlockSpec((128, D_Y, D_X), lambda j: (j, 0, 0)),
            pl.BlockSpec((128, D_Y), lambda j: (j, 0)),
            pl.BlockSpec((128, D_Y), lambda j: (j, 0)),
        ],
        out_specs=[
            pl.BlockSpec((D_Y, D_X, 128), lambda j: (0, 0, j)),
            pl.BlockSpec((D_Y, 1, 128), lambda j: (0, 0, j)),
            pl.BlockSpec((128, U_COLS), lambda j: (j, 0)),
        ],
        out_shape=[
            jax.ShapeDtypeStruct((D_Y, D_X, K_PAD), jnp.float32),
            jax.ShapeDtypeStruct((D_Y, 1, K_PAD), jnp.float32),
            jax.ShapeDtypeStruct((K_PAD, U_COLS), jnp.float32),
        ],
    )(B, A, u_grid)


def _dist_argmin_body(x_ref, w_ref, a_ref, y_ref, idx_ref):
    x = x_ref[...]
    s0 = jnp.dot(x, w_ref[0], preferred_element_type=jnp.float32) + a_ref[0]
    s1 = jnp.dot(x, w_ref[1], preferred_element_type=jnp.float32) + a_ref[1]
    d0 = s0 - y_ref[:, 0:1]
    d1 = s1 - y_ref[:, 1:2]
    d2 = d0 * d0 + d1 * d1
    idx = jnp.argmin(d2, axis=1).astype(jnp.int32)
    idx_ref[0] = idx.reshape(N_BLK // 128, 128)


def _argmin_indices(x, w, a, y):
    return pl.pallas_call(
        _dist_argmin_body,
        grid=(N_GRID,),
        in_specs=[
            pl.BlockSpec((N_BLK, D_X), lambda i: (i, 0)),
            pl.BlockSpec((D_Y, D_X, K_PAD), lambda i: (0, 0, 0)),
            pl.BlockSpec((D_Y, 1, K_PAD), lambda i: (0, 0, 0)),
            pl.BlockSpec((N_BLK, D_Y), lambda i: (i, 0)),
        ],
        out_specs=pl.BlockSpec((1, N_BLK // 128, 128), lambda i: (i, 0, 0)),
        out_shape=jax.ShapeDtypeStruct((N_GRID, N_BLK // 128, 128), jnp.int32),
    )(x, w, a, y)


def _sc_gather(table, idx):
    info = plsc.get_sparse_core_info()
    nc, ns = info.num_cores, info.num_subcores
    nw = nc * ns
    b_per_w = N // nw
    rows_per_blk = N_BLK // 128
    mesh = plsc.VectorSubcoreMesh(core_axis_name="c", subcore_axis_name="s")

    @functools.partial(
        pl.kernel,
        mesh=mesh,
        out_type=jax.ShapeDtypeStruct((N, U_COLS), jnp.float32),
        scratch_types=[
            pltpu.VMEM((b_per_w,), jnp.int32),
            pltpu.VMEM((b_per_w, U_COLS), jnp.float32),
            pltpu.SemaphoreType.DMA,
        ],
    )
    def gather_kernel(table_hbm, idx_hbm, out_hbm, idx_v, rows_v, sem):
        wid = lax.axis_index("s") * nc + lax.axis_index("c")
        pltpu.sync_copy(idx_hbm.at[wid // rows_per_blk, wid % rows_per_blk],
                        idx_v)
        pltpu.async_copy(table_hbm.at[idx_v], rows_v, sem).wait()
        pltpu.sync_copy(rows_v, out_hbm.at[pl.ds(wid * b_per_w, b_per_w)])

    return gather_kernel(table, idx)


def kernel(y, x, B, A, u_grid):
    w = jnp.pad(jnp.transpose(B, (1, 2, 0)),
                ((0, 0), (0, 0), (0, K_PAD - K)))
    a = jnp.pad(A.T[:, None, :], ((0, 0), (0, 0), (0, K_PAD - K)),
                constant_values=A_PAD)
    table = jnp.pad(u_grid, ((0, K_PAD - K), (0, U_COLS - D_Y)))
    idx = _argmin_indices(x, w, a, y)
    return _sc_gather(table, idx)[:, :D_Y]

# --- scband reference (transcript-rebuilt; emitter-appended) ---
"""Pipeline reference for scband-linear-quantile-regression-80522046865738 (READ-ONLY COPY).

The authoritative reference and input builder live on the scoring server;
editing this copy changes nothing except your own understanding.
"""

import jax, jax.numpy as jnp
import numpy as np

T = 50
D_Y = 2
D_X = 128
N = 4096
K = T ** D_Y


def setup_inputs(seed: int = 0) -> dict:
    key = jax.random.key(seed)
    k1, k2, k3, k4 = jax.random.split(key, 4)
    x = jax.random.normal(k1, (N, D_X), dtype=jnp.float32)
    y = jax.random.normal(k2, (N, D_Y), dtype=jnp.float32)
    # Linear VQR parameters: per-grid-point slope B_k [d_y, d_x] and intercept A_k [d_y]
    B = jax.random.normal(k3, (K, D_Y, D_X), dtype=jnp.float32) * 0.02
    A = jax.random.normal(k4, (K, D_Y), dtype=jnp.float32) * 0.02
    # Quantile grid: tensor-product of T levels in (0,1] per y-dimension, flattened to [K, d_y]
    grid_1d = jnp.arange(1, T + 1, dtype=jnp.float32) / T
    mesh = jnp.meshgrid(*([grid_1d] * D_Y), indexing='ij')
    u_grid = jnp.stack([m.reshape(-1) for m in mesh], axis=-1)
    return {"y": y, "x": x, "B": B, "A": A, "u_grid": u_grid}


def reference(y, x, B, A, u_grid):
    # push_y_given_x, vectorized over the batch.
    # For each sample, the linear vector quantile function evaluated on the full
    # quantile grid gives y-quantile-surfaces [K, d_y] = B @ x + A (per grid point k).
    surf = jnp.einsum('kdc,nc->nkd', B, x) + A[None, :, :]  # [N, K, d_y]
    # distances_to_quantile_surfaces: L2 norm over the y-dimension axis
    dist = jnp.linalg.norm(surf - y[:, None, :], axis=-1)  # [N, K]
    # index_of_closest_quantile_vector (nearest-neighbor search over the grid)
    idx = jnp.argmin(dist, axis=1)  # [N]
    # gather the corresponding u vectors from the quantile grid
    u = jnp.take(u_grid, idx, axis=0)  # [N, d_y]
    return u

if __name__ == "__main__":
    import jax
    _d = setup_inputs()
    print(jax.jit(kernel)(*tuple(_d.values())))

</pallas_src>

<mosaic_0001>
#map = affine_map<(d0, d1) -> (0, 0)>
#map1 = affine_map<(d0, d1) -> (0, 0, 0)>
module attributes {stable_mosaic.version = 14 : i64} {
  func.func @gather_kernel(%arg0: i32, %arg1: i32, %arg2: memref<2560x128xf32, #tpu.memory_space<hbm>>, %arg3: memref<8x4x128xi32, #tpu.memory_space<hbm>>, %arg4: memref<4096x128xf32, #tpu.memory_space<hbm>>, %arg5: memref<128xi32, #tpu.memory_space<vmem>>, %arg6: memref<128x128xf32, #tpu.memory_space<vmem>>, %arg7: memref<!tpu.dma_semaphore, #tpu.memory_space<semaphore_mem>>) attributes {dimension_semantics = [#tpu.dimension_semantics<core_parallel>, #tpu.dimension_semantics<subcore_parallel>], iteration_bounds = array<i64: 2, 16>, scalar_prefetch = 0 : i64, scratch_operands = 3 : i64, tpu.core_type = #tpu.core_type<sc_vector_subcore>, window_params = [{transform_indices = #map}, {transform_indices = #map1}, {transform_indices = #map}]} {
    %mul3A = arith.constant 2 : i32
    %mul3A_0 = arith.muli %arg1, %mul3A : i32
    %add3A = arith.addi %mul3A_0, %arg0 : i32
    %jit3A = arith.constant 4 : i32
    %div3A = arith.divsi %add3A, %jit3A : i32
    %sign3A = arith.constant 0 : i32
    %sign3A_1 = arith.cmpi sgt, %add3A, %sign3A : i32
    %sign3A_2 = arith.extui %sign3A_1 : i1 to i32
    %sign3A_3 = arith.constant 0 : i32
    %sign3A_4 = arith.cmpi slt, %add3A, %sign3A_3 : i32
    %sign3A_5 = arith.extui %sign3A_4 : i1 to i32
    %sign3A_6 = arith.subi %sign3A_2, %sign3A_5 : i32
    %sign3A_7 = arith.constant 0 : i32
    %sign3A_8 = arith.cmpi sgt, %jit3A, %sign3A_7 : i32
    %sign3A_9 = arith.extui %sign3A_8 : i1 to i32
    %sign3A_10 = arith.constant 0 : i32
    %sign3A_11 = arith.cmpi slt, %jit3A, %sign3A_10 : i32
    %sign3A_12 = arith.extui %sign3A_11 : i1 to i32
    %sign3A_13 = arith.subi %sign3A_9, %sign3A_12 : i32
    %ne3A = arith.cmpi ne, %sign3A_6, %sign3A_13 : i32
    %rem3A = arith.remsi %add3A, %jit3A : i32
    %ne3A_14 = arith.constant 0 : i32
    %ne3A_15 = arith.cmpi ne, %rem3A, %ne3A_14 : i32
    %and3A = arith.andi %ne3A, %ne3A_15 : i1
    %sub3A = arith.constant 1 : i32
    %sub3A_16 = arith.subi %div3A, %sub3A : i32
    %select_n3A = arith.select %and3A, %sub3A_16, %div3A : i32
    %jit3A_17 = arith.constant 4 : i32
    %eq3A = arith.constant 0 : i32
    %eq3A_18 = arith.cmpi eq, %jit3A_17, %eq3A : i32
    %jit3A_19 = arith.constant 1 : i32
    %select_n3A_20 = arith.select %eq3A_18, %jit3A_19, %jit3A_17 : i32
    %rem3A_21 = arith.remsi %add3A, %select_n3A_20 : i32
    %ne3A_22 = arith.constant 0 : i32
    %ne3A_23 = arith.cmpi ne, %rem3A_21, %ne3A_22 : i32
    %lt3A = arith.constant 0 : i32
    %lt3A_24 = arith.cmpi slt, %rem3A_21, %lt3A : i32
    %lt3A_25 = arith.constant 0 : i32
    %lt3A_26 = arith.cmpi slt, %select_n3A_20, %lt3A_25 : i32
    %ne3A_27 = arith.xori %lt3A_24, %lt3A_26 : i1
    %and3A_28 = arith.andi %ne3A_27, %ne3A_23 : i1
    %add3A_29 = arith.addi %rem3A_21, %select_n3A_20 : i32
    %select_n3A_30 = arith.select %and3A_28, %add3A_29, %rem3A_21 : i32
    "tpu.region"() ({
      %run_scoped3A = tpu.sem_alloc : memref<!tpu.dma_semaphore, #tpu.memory_space<semaphore_mem>>
      %dma_start3A_37 = arith.constant 0 : i32
      %dma_start3A_38 = tpu.memref_slice %arg3[%select_n3A, %select_n3A_30, %dma_start3A_37] : memref<8x4x128xi32, #tpu.memory_space<hbm>> -> memref<1x1x128xi32, #tpu.memory_space<hbm>>
      %dma_start3A_39 = tpu.memref_squeeze %dma_start3A_38 : memref<1x1x128xi32, #tpu.memory_space<hbm>> -> memref<128xi32, #tpu.memory_space<hbm>>
      %dma_start3A_40 = arith.constant 0 : i32
      %dma_start3A_41 = tpu.memref_slice %arg3[%select_n3A, %select_n3A_30, %dma_start3A_40] : memref<8x4x128xi32, #tpu.memory_space<hbm>> -> memref<1x1x128xi32, #tpu.memory_space<hbm>>
      %dma_start3A_42 = tpu.memref_squeeze %dma_start3A_41 : memref<1x1x128xi32, #tpu.memory_space<hbm>> -> memref<128xi32, #tpu.memory_space<hbm>>
      tpu.enqueue_dma source(%dma_start3A_42 : memref<128xi32, #tpu.memory_space<hbm>>) target(%arg5 : memref<128xi32, #tpu.memory_space<vmem>>) target_semaphore(%run_scoped3A : memref<!tpu.dma_semaphore, #tpu.memory_space<semaphore_mem>>)
      %dma_wait3A_43 = arith.constant 0 : i32
      %dma_wait3A_44 = tpu.memref_slice %arg3[%select_n3A, %select_n3A_30, %dma_wait3A_43] : memref<8x4x128xi32, #tpu.memory_space<hbm>> -> memref<1x1x128xi32, #tpu.memory_space<hbm>>
      %dma_wait3A_45 = tpu.memref_squeeze %dma_wait3A_44 : memref<1x1x128xi32, #tpu.memory_space<hbm>> -> memref<128xi32, #tpu.memory_space<hbm>>
      %dma_wait3A_46 = arith.constant 0 : i32
      %dma_wait3A_47 = tpu.memref_slice %arg3[%select_n3A, %select_n3A_30, %dma_wait3A_46] : memref<8x4x128xi32, #tpu.memory_space<hbm>> -> memref<1x1x128xi32, #tpu.memory_space<hbm>>
      %dma_wait3A_48 = tpu.memref_squeeze %dma_wait3A_47 : memref<1x1x128xi32, #tpu.memory_space<hbm>> -> memref<128xi32, #tpu.memory_space<hbm>>
      tpu.wait_dma2 semaphore(%run_scoped3A : memref<!tpu.dma_semaphore, #tpu.memory_space<semaphore_mem>>) src(%dma_wait3A_48 : memref<128xi32, #tpu.memory_space<hbm>>) dst(%arg5 : memref<128xi32, #tpu.memory_space<vmem>>)
      tpu.yield
    }) : () -> ()
    %dma_start3A = arith.constant 0 : i32
    %dma_start3A_31 = arith.constant 0 : i32
    %dma_start3A_32 = tpu.memref_slice %arg2[%dma_start3A, %dma_start3A_31] : memref<2560x128xf32, #tpu.memory_space<hbm>> -> memref<2560x128xf32, #tpu.memory_space<hbm>>
    tpu.enqueue_indirect_dma source(%dma_start3A_32 : memref<2560x128xf32, #tpu.memory_space<hbm>>) target(%arg6 : memref<128x128xf32, #tpu.memory_space<vmem>>) offsets(%arg5 : memref<128xi32, #tpu.memory_space<vmem>>) semaphore(%arg7 : memref<!tpu.dma_semaphore, #tpu.memory_space<semaphore_mem>>)
    %dma_wait3A = arith.constant 0 : i32
    %dma_wait3A_33 = arith.constant 0 : i32
    %dma_wait3A_34 = tpu.memref_slice %arg2[%dma_wait3A, %dma_wait3A_33] : memref<2560x128xf32, #tpu.memory_space<hbm>> -> memref<2560x128xf32, #tpu.memory_space<hbm>>
    tpu.wait_indirect_dma semaphore(%arg7 : memref<!tpu.dma_semaphore, #tpu.memory_space<semaphore_mem>>) src(%dma_wait3A_34 : memref<2560x128xf32, #tpu.memory_space<hbm>>) dst(%arg6 : memref<128x128xf32, #tpu.memory_space<vmem>>)
    %mul3A_35 = arith.constant 128 : i32
    %mul3A_36 = arith.muli %add3A, %mul3A_35 : i32
    "tpu.region"() ({
      %run_scoped3A = tpu.sem_alloc : memref<!tpu.dma_semaphore, #tpu.memory_space<semaphore_mem>>
      %dma_start3A_37 = arith.constant 0 : i32
      %dma_start3A_38 = tpu.memref_slice %arg4[%mul3A_36, %dma_start3A_37] : memref<4096x128xf32, #tpu.memory_space<hbm>> -> memref<128x128xf32, #tpu.memory_space<hbm>>
      %dma_start3A_39 = arith.constant 0 : i32
      %dma_start3A_40 = tpu.memref_slice %arg4[%mul3A_36, %dma_start3A_39] : memref<4096x128xf32, #tpu.memory_space<hbm>> -> memref<128x128xf32, #tpu.memory_space<hbm>>
      tpu.enqueue_dma source(%arg6 : memref<128x128xf32, #tpu.memory_space<vmem>>) target(%dma_start3A_40 : memref<128x128xf32, #tpu.memory_space<hbm>>) target_semaphore(%run_scoped3A : memref<!tpu.dma_semaphore, #tpu.memory_space<semaphore_mem>>)
      %dma_wait3A_41 = arith.constant 0 : i32
      %dma_wait3A_42 = tpu.memref_slice %arg4[%mul3A_36, %dma_wait3A_41] : memref<4096x128xf32, #tpu.memory_space<hbm>> -> memref<128x128xf32, #tpu.memory_space<hbm>>
      %dma_wait3A_43 = arith.constant 0 : i32
      %dma_wait3A_44 = tpu.memref_slice %arg4[%mul3A_36, %dma_wait3A_43] : memref<4096x128xf32, #tpu.memory_space<hbm>> -> memref<128x128xf32, #tpu.memory_space<hbm>>
      tpu.wait_dma2 semaphore(%run_scoped3A : memref<!tpu.dma_semaphore, #tpu.memory_space<semaphore_mem>>) src(%arg6 : memref<128x128xf32, #tpu.memory_space<vmem>>) dst(%dma_wait3A_44 : memref<128x128xf32, #tpu.memory_space<hbm>>)
      tpu.yield
    }) : () -> ()
    return
  }
}

module attributes {stable_mosaic.version = 14 : i64} {
  func.func @_dist_argmin_body(%arg0: i32, %arg1: memref<512x128xf32, #tpu.memory_space<vmem>>, %arg2: memref<2x128x2560xf32, #tpu.memory_space<vmem>>, %arg3: memref<2x1x2560xf32, #tpu.memory_space<vmem>>, %arg4: memref<512x2xf32, #tpu.memory_space<vmem>>, %arg5: memref<1x4x128xi32, #tpu.memory_space<vmem>>) attributes {dimension_semantics = [#tpu.dimension_semantics<arbitrary>], iteration_bounds = array<i64: 8>, scalar_prefetch = 0 : i64, scratch_operands = 0 : i64, tpu.core_type = #tpu.core_type<tc>, window_params = [{transform_indices = @transform_0, window_bounds = array<i64: 512, 128>}, {pipeline_mode = #tpu.pipeline_mode<synchronous>, transform_indices = @transform_1, window_bounds = array<i64: 2, 128, 2560>}, {pipeline_mode = #tpu.pipeline_mode<synchronous>, transform_indices = @transform_2, window_bounds = array<i64: 2, 1, 2560>}, {transform_indices = @transform_3, window_bounds = array<i64: 512, 2>}, {transform_indices = @transform_4, window_bounds = array<i64: 1, 4, 128>}]} {
    %get3A = arith.constant 0 : index
    %get3A_0 = arith.constant 0 : index
    %get3A_1 = vector.load %arg1[%get3A, %get3A_0] : memref<512x128xf32, #tpu.memory_space<vmem>>, vector<512x128xf32>
    %get3A_2 = arith.constant 0 : index
    %get3A_3 = arith.constant 0 : index
    %get3A_4 = arith.constant 0 : index
    %get3A_5 = vector.load %arg2[%get3A_2, %get3A_3, %get3A_4] : memref<2x128x2560xf32, #tpu.memory_space<vmem>>, vector<1x128x2560xf32>
    %get3A_6 = vector.shape_cast %get3A_5 : vector<1x128x2560xf32> to vector<128x2560xf32>
    %dot_general3A = arith.constant dense<0.000000e+00> : vector<512x2560xf32>
    %dot_general3A_7 = tpu.matmul %get3A_1, %get3A_6, %dot_general3A {dimension_numbers = #tpu.dot_dimension_numbers<[1], [0], [0], [1], [0, 0, 1, 1], [], []>, transpose_lhs_hint = false} : vector<512x128xf32>, vector<128x2560xf32>, vector<512x2560xf32> -> vector<512x2560xf32>
    %get3A_8 = arith.constant 0 : index
    %get3A_9 = arith.constant 0 : index
    %get3A_10 = arith.constant 0 : index
    %get3A_11 = vector.load %arg3[%get3A_8, %get3A_9, %get3A_10] : memref<2x1x2560xf32, #tpu.memory_space<vmem>>, vector<1x1x2560xf32>
    %get3A_12 = vector.shape_cast %get3A_11 : vector<1x1x2560xf32> to vector<1x2560xf32>
    %add3A = vector.broadcast %get3A_12 : vector<1x2560xf32> to vector<512x2560xf32>
    %add3A_13 = arith.addf %dot_general3A_7, %add3A : vector<512x2560xf32>
    %get3A_14 = arith.constant 1 : index
    %get3A_15 = arith.constant 0 : index
    %get3A_16 = arith.constant 0 : index
    %get3A_17 = vector.load %arg2[%get3A_14, %get3A_15, %get3A_16] : memref<2x128x2560xf32, #tpu.memory_space<vmem>>, vector<1x128x2560xf32>
    %get3A_18 = vector.shape_cast %get3A_17 : vector<1x128x2560xf32> to vector<128x2560xf32>
    %dot_general3A_19 = arith.constant dense<0.000000e+00> : vector<512x2560xf32>
    %dot_general3A_20 = tpu.matmul %get3A_1, %get3A_18, %dot_general3A_19 {dimension_numbers = #tpu.dot_dimension_numbers<[1], [0], [0], [1], [0, 0, 1, 1], [], []>, transpose_lhs_hint = false} : vector<512x128xf32>, vector<128x2560xf32>, vector<512x2560xf32> -> vector<512x2560xf32>
    %get3A_21 = arith.constant 1 : index
    %get3A_22 = arith.constant 0 : index
    %get3A_23 = arith.constant 0 : index
    %get3A_24 = vector.load %arg3[%get3A_21, %get3A_22, %get3A_23] : memref<2x1x2560xf32, #tpu.memory_space<vmem>>, vector<1x1x2560xf32>
    %get3A_25 = vector.shape_cast %get3A_24 : vector<1x1x2560xf32> to vector<1x2560xf32>
    %add3A_26 = vector.broadcast %get3A_25 : vector<1x2560xf32> to vector<512x2560xf32>
    %add3A_27 = arith.addf %dot_general3A_20, %add3A_26 : vector<512x2560xf32>
    %get3A_28 = arith.constant 0 : index
    %get3A_29 = arith.constant 0 : index
    %get3A_30 = vector.load %arg4[%get3A_28, %get3A_29] : memref<512x2xf32, #tpu.memory_space<vmem>>, vector<512x1xf32>
    %sub3A = vector.broadcast %get3A_30 : vector<512x1xf32> to vector<512x2560xf32>
    %sub3A_31 = arith.subf %add3A_13, %sub3A : vector<512x2560xf32>
    %get3A_32 = arith.constant 0 : index
    %get3A_33 = arith.constant 1 : index
    %get3A_34 = vector.load %arg4[%get3A_32, %get3A_33] : memref<512x2xf32, #tpu.memory_space<vmem>>, vector<512x1xf32>
    %sub3A_35 = vector.broadcast %get3A_34 : vector<512x1xf32> to vector<512x2560xf32>
    %sub3A_36 = arith.subf %add3A_27, %sub3A_35 : vector<512x2560xf32>
    %mul3A = arith.mulf %sub3A_31, %sub3A_31 : vector<512x2560xf32>
    %mul3A_37 = arith.mulf %sub3A_36, %sub3A_36 : vector<512x2560xf32>
    %add3A_38 = arith.addf %mul3A, %mul3A_37 : vector<512x2560xf32>
    %argmin3A = tpu.reduce_index %add3A_38 {axis = 1 : i32, kind = #tpu.reduction_kind<arg_min>} : vector<512x2560xf32> -> vector<512xi32>
    %reshape3A = vector.shape_cast %argmin3A : vector<512xi32> to vector<4x128xi32>
    %swap3A = arith.constant 0 : index
    %swap3A_39 = arith.constant 0 : index
    %swap3A_40 = arith.constant 0 : index
    %swap3A_41 = vector.load %arg5[%swap3A, %swap3A_39, %swap3A_40] : memref<1x4x128xi32, #tpu.memory_space<vmem>>, vector<1x4x128xi32>
    %swap3A_42 = vector.shape_cast %swap3A_41 : vector<1x4x128xi32> to vector<4x128xi32>
    %swap3A_43 = vector.shape_cast %reshape3A : vector<4x128xi32> to vector<1x4x128xi32>
    tpu.vector_store %arg5[%swap3A, %swap3A_39, %swap3A_40], %swap3A_43 {strides = array<i32>} : memref<1x4x128xi32, #tpu.memory_space<vmem>>, vector<1x4x128xi32>,
    return
  }
  func.func @transform_0(%arg0: i32) -> (i32, i32) {
    %c0_i32 = arith.constant 0 : i32
    %c0_i32_0 = arith.constant 0 : i32
    return %arg0, %c0_i32 : i32, i32
  }
  func.func @transform_1(%arg0: i32) -> (i32, i32, i32) {
    %c0_i32 = arith.constant 0 : i32
    %c0_i32_0 = arith.constant 0 : i32
    %c0_i32_1 = arith.constant 0 : i32
    %c0_i32_2 = arith.constant 0 : i32
    return %c0_i32, %c0_i32_0, %c0_i32_1 : i32, i32, i32
  }
  func.func @transform_2(%arg0: i32) -> (i32, i32, i32) {
    %c0_i32 = arith.constant 0 : i32
    %c0_i32_0 = arith.constant 0 : i32
    %c0_i32_1 = arith.constant 0 : i32
    %c0_i32_2 = arith.constant 0 : i32
    return %c0_i32, %c0_i32_0, %c0_i32_1 : i32, i32, i32
  }
  func.func @transform_3(%arg0: i32) -> (i32, i32) {
    %c0_i32 = arith.constant 0 : i32
    %c0_i32_0 = arith.constant 0 : i32
    return %arg0, %c0_i32 : i32, i32
  }
  func.func @transform_4(%arg0: i32) -> (i32, i32, i32) {
    %c0_i32 = arith.constant 0 : i32
    %c0_i32_0 = arith.constant 0 : i32
    %c0_i32_1 = arith.constant 0 : i32
    return %arg0, %c0_i32, %c0_i32_0 : i32, i32, i32
  }
}

</mosaic_0001>

<sc_bundles>
// kernel: kernel.4.cloned.1.call-start
scs
__scs_entry_jumppad:
0x0: {  	(pc) =	sbr.rel $0x88, $3  }
0x1: {  	(tag) =	ssettag $0x0;
	lr =	simm.s32 $0x1  }
0x2: {  	[smem:$0x3F9C] =	sst lr;
	_ =	strace $0xD0000000  }
0x3: {  	_ = 	snop  }
0x4: {  	_ = 	snop  }
0x5: {  	_ = 	snop  }
0x6: {  	_ = 	snop  }
0x7: {  	_ = 	snop  }
__scs_overlays_trampoline_lowered:
0x8: {  	[smem:$0x3FAB] =	sst s0  }
0x9: {  	[smem:$0x3FAC] =	sst s1  }
0xa: {  	[smem:$0x3FAD] =	sst s2  }
0xb: {  	[smem:$0x3FAE] =	sst s3  }
0xc: {  	[smem:$0x3FAF] =	sst s4  }
0xd: {  	[smem:$0x3FB0] =	sst s5  }
0xe: {  	[smem:$0x3FB1] =	sst s6  }
0xf: {  	[smem:$0x3FB2] =	sst s7  }
0x10: {  	[smem:$0x3FB3] =	sst s8  }
0x11: {  	[smem:$0x3FB4] =	sst s9;
	s0 =	simm.s32 @!p0 $0x0  }
0x12: {  	s1 =	sld [smem:$0x3F9A];
	s0 =	simm.s32 @p0 $0x1  }
0x13: {  	[smem:$0x3FB5] =	sst s0;
	s0 =	simm.s32 @!p1 $0x0  }
0x14: {  	s2 =	sld [smem:$0x3F99];
	s0 =	simm.s32 @p1 $0x1  }
0x15: {  	[smem:$0x3FB6] =	sst s0;
	s0 =	simm.s32 @!p2 $0x0  }
0x16: {  	s3 =	sld [smem:$0x3FDB];
	s0 =	simm.s32 @p2 $0x1  }
0x17: {  	s4 =	simm.s32 $0x1BF5;
	[smem:$0x3FB8] =	sst s0  }
0x18: {  	s0 =	sld [smem:$0x3F9B];
	_ =	swait.ge [sflag:s4], $0x0  }
0x19: {  	s7 =	sld [smem:$0x3F9C]  }
0x1a: {  	s8 =	sadd.s32 $0xFFFFE003, lr  }
0x1b: {  	s9 =	sadd.s32 $0xFFFFFEF7, lr;
	s5 =	simm.s32 $0xFFFFFFFF;
	p2 =	slt.u32 s8, $0xFFFFF086  }
0x1c: {  	p1 =	slt.u32 s9, $0xF7A;
	s5 =	simm.s32 @!p2 $0x0  }
0x1d: {  	s5 =	simm.s32 @p1 $0x1;
	p0 =	seq.s32 s7, s2  }
0x1e: {  	s7 =	smul.u32 @!p0 $0xF7A, s2;
	p2 =	seq.s32 @!p0 s5, $0x0  }
0x1f: {  	s9 =	smul.u32 $0xF7A, s1;
	s8 =	simm.s32 @!p0 $0x1BF5;
	p2 =	por !p2, p0  }
0x20: {  	[sflag:s8] =	ssyncset.s32 @!p0 $0xFFFFF086;
	s6 =	sadd.s32 @!p0 s3, s7;
	s7 =	simm.s32 @!p0 $0x108  }
0x21: {  	s3 =	sadd.s32 s3, s9;
	s6 =	sadd.s32 @!p0 $0x88, s6;
	s7 =	simm.s32 @p2 $0x1082  }
0x22: {  	[simem:s7], [sflag:s8] =	dma.local @!p0 [hbm:s6], $0xF7A  }
0x23: {  	s9 =	sor.u32 $0xD0000000, s2;
	s6 =	simm.s32 $0x108;
	_ =	swait.ge @!p0 [sflag:s8], $0x0  }
0x24: {  	s3 =	sadd.s32 $0x88, s3;
	s6 =	simm.s32 @!p1 $0x1082;
	[sflag:s4] =	ssyncset.s32 $0xFFFFF086  }
0x25: {  	[simem:s6], [sflag:s4] =	dma.local [hbm:s3], $0xF7A  }
0x26: {  	[smem:$0x3F9C] =	sst s1;
	(tag) =	ssettag s2;
	_ =	strace s9  }
0x27: {  	s1 =	sld [smem:$0x3FAC]  }
0x28: {  	s2 =	sld [smem:$0x3FAD]  }
0x29: {  	s4 =	sld [smem:$0x3FAF]  }
0x2a: {  	p0 =	seq.s32 s5, $0x0;
	s5 =	sld [smem:$0x3FB0]  }
0x2b: {  	s6 =	sld [smem:$0x3FB1]  }
0x2c: {  	s7 =	sld [smem:$0x3FB2]  }
0x2d: {  	s3 =	simm.s32 $0x108;
	s8 =	sld [smem:$0x3FB3]  }
0x2e: {  	s3 =	simm.s32 @!p0 $0x1082;
	s9 =	sld [smem:$0x3FB4]  }
0x2f: {  	lr =	sadd.s32 s0, s3;
	s0 =	sld [smem:$0x3FAB]  }
0x30: {  	s3 =	sld [smem:$0x3FAE]  }
0x31: {  	[smem:$0x3FB7] =	sst s10  }
0x32: {  	s10 =	sld [smem:$0x3FB5];
	_ =	sdelay $0x3  }
0x33: {  	p0 =	seq.s32 s10, $0x1;
	s10 =	sld [smem:$0x3FB7];
	_ =	sdelay $0x3  }
0x34: {  	[smem:$0x3FB7] =	sst s10  }
0x35: {  	s10 =	sld [smem:$0x3FB6];
	_ =	sdelay $0x3  }
0x36: {  	p1 =	seq.s32 s10, $0x1;
	s10 =	sld [smem:$0x3FB7];
	_ =	sdelay $0x3  }
0x37: {  	[smem:$0x3FB7] =	sst s10  }
0x38: {  	s10 =	sld [smem:$0x3FB8]  }
0x39: {  	_ = 	snop;
	(pc) =	sbr.ind lr, $3  }
0x3a: {  	_ = 	snop  }
0x3b: {  	_ = 	snop  }
0x3c: {  	p2 =	seq.s32 s10, $0x1;
	s10 =	sld [smem:$0x3FB7]  }
0x3d: {  	_ =	shalt  }
0x3e: {  	_ =	shalt  }
0x3f: {  	_ =	shalt  }
0x40: {  	_ =	shalt  }
0x41: {  	_ =	shalt  }
0x42: {  	_ =	shalt  }
0x43: {  	_ =	shalt  }
0x44: {  	_ =	shalt  }
0x45: {  	_ =	shalt  }
0x46: {  	_ =	shalt  }
0x47: {  	_ =	shalt  }
0x48: {  	_ =	shalt  }
0x49: {  	_ =	shalt  }
0x4a: {  	_ =	shalt  }
0x4b: {  	_ =	shalt  }
0x4c: {  	_ =	shalt  }
0x4d: {  	_ =	shalt  }
0x4e: {  	_ =	shalt  }
0x4f: {  	_ =	shalt  }
0x50: {  	_ =	shalt  }
0x51: {  	_ =	shalt  }
0x52: {  	_ =	shalt  }
0x53: {  	_ =	shalt  }
0x54: {  	_ =	shalt  }
0x55: {  	_ =	shalt  }
0x56: {  	_ =	shalt  }
0x57: {  	_ =	shalt  }
0x58: {  	_ =	shalt  }
0x59: {  	_ =	shalt  }
0x5a: {  	_ =	shalt  }
0x5b: {  	_ =	shalt  }
0x5c: {  	_ =	shalt  }
0x5d: {  	_ =	shalt  }
0x5e: {  	_ =	shalt  }
0x5f: {  	_ =	shalt  }
0x60: {  	_ =	shalt  }
0x61: {  	_ =	shalt  }
0x62: {  	_ =	shalt  }
0x63: {  	_ =	shalt  }
0x64: {  	_ =	shalt  }
0x65: {  	_ =	shalt  }
0x66: {  	_ =	shalt  }
0x67: {  	_ =	shalt  }
0x68: {  	_ =	shalt  }
0x69: {  	_ =	shalt  }
0x6a: {  	_ =	shalt  }
0x6b: {  	_ =	shalt  }
0x6c: {  	_ =	shalt  }
0x6d: {  	_ =	shalt  }
0x6e: {  	_ =	shalt  }
0x6f: {  	_ =	shalt  }
0x70: {  	_ =	shalt  }
0x71: {  	_ =	shalt  }
0x72: {  	_ =	shalt  }
0x73: {  	_ =	shalt  }
0x74: {  	_ =	shalt  }
0x75: {  	_ =	shalt  }
0x76: {  	_ =	shalt  }
0x77: {  	_ =	shalt  }
0x78: {  	_ =	shalt  }
0x79: {  	_ =	shalt  }
0x7a: {  	_ =	shalt  }
0x7b: {  	_ =	shalt  }
0x7c: {  	_ =	shalt  }
0x7d: {  	_ =	shalt  }
0x7e: {  	_ =	shalt  }
0x7f: {  	_ =	shalt  }
0x80: {  	_ =	shalt  }
0x81: {  	_ =	shalt  }
0x82: {  	_ =	shalt  }
0x83: {  	_ =	shalt  }
0x84: {  	_ =	shalt  }
0x85: {  	_ =	shalt  }
0x86: {  	_ =	shalt  }
0x87: {  	_ =	shalt  }
.Lfunc_end0:
.L_simem_size_0:
called_computation_lowered:
.L_overlay_start_0:
0x88: {  	s2 =	sld [smem:$0x3FD9]  }
0x89: {  	s3 =	sld [smem:$0x3FFE];
	_ =	sdelay $0x1  }
0x8a: {  	s1 =	srdreg.scid  }
0x8b: {  	s0 =	sand.u32 $0x1, s1  }
0x8c: {  	s17 =	sshll.u32 s0, $0xA;
	s2 =	sadd.s32 s3, s2  }
0x8d: {  	s2 =	sadd.s32 s2, s17  }
0x8e: {  	[smem:$0x3FC3] =	sst s2  }
0x8f: {  	_ = 	snop  }
0x90: {  	s2 =	sld [smem:$0x3FD0];
	(tm) =	ssettm $0x1  }
0x91: {  	s18 =	sld [smem:$0x3FFB];
	_ =	sdelay $0x3  }
0x92: {  	_ =	strace s18  }
0x93: {  	s3 =	sld [smem:$0x3FFC];
	_ =	sdelay $0x3  }
0x94: {  	_ =	strace s3  }
0x95: {  	s3 =	sld [smem:$0x3FFD];
	_ =	sdelay $0x3  }
0x96: {  	_ =	strace s3  }
0x97: {  	_ =	strace $0x8FFFFFFF  }
0x98: {  	s19 =	sld [smem:$0x3FDB];
	_ =	sdelay $0x1  }
0x99: {  	s4 =	simm.s32 $_scs_section_size  }
0x9a: {  	s5 =	simm.s32 $_size__tile_overlayer_lowered;
	s6 =	simm.s32 $_tile_overlayer_lowered  }
0x9b: {  	s22 =	simm.s32 $0x1BFF;
	s21 =	sshll.u32 s6, $0x1;
	s3 =	sadd.s32 s4, s19  }
0x9c: {  	s7 =	simm.s32 $0x0;
	s20 =	sshll.u32 s5, $0x1;
	s5 =	sadd.s32 s21, s3  }
0x9d: {  	[timem:s7], [sflag:s22] =	dma.local [hbm:s5], s20  }
0x9e: {  	_ =	swait.ge [sflag:s22], s20  }
0x9f: {  	s4 =	ssub.s32 $0x0, s20;
	[sflag:s22] =	ssyncset.done $0x0  }
0xa0: {  	[sflag:s22] =	ssyncadd.s32 s4;
	_ =	sdelay $0x1  }
0xa1: {  	s23 =	simm.s32 $0x1B8B  }
0xa2: {  	_ =	swait.ge [sflag:s23], $0x1  }
0xa3: {  	[sflag:s23] =	ssyncset.done $0x0  }
0xa4: {  	s25 =	simm.s32 $0x1B8E;
	s24 =	sld [smem:$0x3FFE];
	[sflag:s23] =	ssyncadd.s32 $0xFFFFFFFF  }
0xa5: {  	s26 =	simm.s32 $execute0_lowered;
	[smem:$0x3FD2] =	sst s25  }
0xa6: {  	s5 =	sshll.u32 s26, $0x1;
	_ =	strace $0x80000046;
	[dreg:$0x1] =	wrdreg $0xFFFFFFFF  }
0xa7: {  	s28 =	simm.s32 $_size_execute0_lowered;
	s3 =	sadd.s32 s3, s5;
	[dreg:$0x0] =	wrdreg $0x0  }
0xa8: {  	s5 =	sshll.u32 s28, $0x1;
	[dreg:$0x2] =	wrdreg s3  }
0xa9: {  	[dreg:$0x3] =	wrdreg s5  }
0xaa: {  	[dreg:$0x4] =	wrdreg $0xC0  }
0xab: {  	_ =	task [dreg:s7], $0x5FFFF  }
0xac: {  	[dreg:$0x1] =	wrdreg $0xFFFFFFFF  }
0xad: {  	[dreg:$0x0] =	wrdreg $0x60  }
0xae: {  	[dreg:$0x2] =	wrdreg s24  }
0xaf: {  	[dreg:$0x3] =	wrdreg s2  }
0xb0: {  	[dreg:$0x4] =	wrdreg $0x9  }
0xb1: {  	_ =	task.clear_ibuf [dreg:s7], $0x5FFFF;
	_ =	strace $0x90000046  }
0xb2: {  	s29 =	simm.s32 $0x9;
	_ =	strace $0x80000048  }
0xb3: {  	_ =	swait.ge [sflag:s29], $0x1  }
0xb4: {  	[sflag:s29] =	ssyncadd.s32 $0xFFFFFFFF  }
0xb5: {  	_ =	strace $0x90000048  }
0xb6: {  	_ =	sfence  }
0xb7: {  	s30 =	sld [smem:$0x0];
	_ =	sdelay $0x2  }
0xb8: {  	s31 =	sshll.u32 s1, $0xD;
	s1 =	sshrl.u32 s1, $0x2  }
0xb9: {  	s3 =	sand.u32 $0x4000, s31;
	s1 =	sadd.s32 s1, s30  }
0xba: {  	s0 =	sor.u32 s3, s0;
	s1 =	sshll.u32 s1, $0x11  }
0xbb: {  	s0 =	sor.u32 s1, s0  }
0xbc: {  	s0 =	sadd.s32 $0x8F2B, s0  }
0xbd: {  	[sflag:s0] =	ssyncadd.remote.s32 $0x1  }
0xbe: {  	_ =	sfence.sel $0xFFFF  }
0xbf: {  	[dreg:$0x0] =	wrdreg $0xFFFFFFFF;
	(pc) =	sbr.abs _section_cstart, $3  }
0xc0: {  	[dreg:$0x1] =	wrdreg $0xFFFFFFFF  }
0xc1: {  	_ =	task.clear_ibuf [dreg:s7], $0x2FFFF;
	_ =	strace $0x9FFFFFFF  }
0xc2: {  	(tm) =	ssettm $0x7FFFFFFF  }
0xc3: {  	_ =	shalt  }
tec
execute0_lowered:
.L_overlay_start_1:
0x0: {  	(tag) =	ssettag $0x1  }
0x1: {  	s8 =	rddreg [dreg:$0x0]  }
0x2: {  	s1 =	srdreg.scid;
	s0 =	stileid.u32  }
0x3: {  	s3 =	rddreg [dreg:$0x1];
	s7 =	simm.s32 $0x1;
	s6 =	sand.u32 $0x1, s1  }
0x4: {  	s2 =	sshll.u32 s0, $0x1;
	s1 =	rddreg [dreg:$0x2];
	s4 =	sshll.u32 s0, $0x5  }
0x5: {  	s9 =	sor.u32 s6, s2;
	s2 =	simm.s32 $0x0;
	s4 =	sand.u32 $0x1C0, s4  }
0x6: {  	s10 =	ssub.s32 $0x2, s6;
	s6 =	simm.s32 $0x80;
	s5 =	sshll.u32 s9, $0x4  }
0x7: {  	[smem:$0x7FF] =	sst s2;
	s3 =	sadd.s32 s3, s4;
	s5 =	sand.u32 $0x30, s5  }
0x8: {  	_ =	strace $0x80000047;
	s4 =	sadd.s32 s5, s3;
	s3 =	simm.s32 $0x2  }
0x9: {  	[tilespmem:s2], [sflag:$0x2] =	stream.linear.gather [hbm4b:s4+s2], $0x80, $0x38;
	[tilespmem:$0x4080] =	vst v63  }
0xa: {  	s9 =	sshll.u32 s9, $0xB;
	s11 =	sshrl.u32 s10, $0x1;
	_ =	swait.ge [sflag:s3], $0x80  }
0xb: {  	s31 =	ssub.s32 s10, s11;
	s5 =	sadd.s32 $0xE00, s8;
	[sflag:s3] =	ssyncset.done $0x0  }
0xc: {  	s8 =	sadd.s32 s9, s8;
	s9 =	smax.u32 s31, $0x1;
	[sflag:s3] =	ssyncadd.s32 $0xFFFFFF80  }
0xd: {  	[tilespmem:s6], [sflag:$0x1] =	stream.indirect.gather [hbm4b:s5+s6], $0x80, s2, s6, $0xb8;
	[tilespmem:$0x4080] =	vst v63  }
0xe: {  	p0 =	sne.s32 s9, $0x1;
	_ =	swait.ge [sflag:s7], $0x4000  }
.Ltmp0:
0xf: {  	[sflag:s7] =	ssyncset.done $0x0;
	(pc) =	sbr.rel @!p0 .LBB2_2-.Ltmp0, $4  }
0x10: {  	s8 =	sadd.s32 $0xAE00, s8;
	[sflag:s7] =	ssyncadd.s32 $0xFFFFC000  }
0x11: {  	[hbm4b:s8+s2] =	stream.linear.scatter [tilespmem:s6], [sflag:$0x2], $0x4000, $0x38;
	[tilespmem:$0x4080] =	vst v63  }
0x12: {  	_ =	swait.ge [sflag:s3], $0x4000  }
0x13: {  	s9 =	sadd.s32 $0xFFFFFFFF, s9;
	[sflag:s3] =	ssyncset.done $0x0  }
.LBB2_1:
0x14: {  	p0 =	sne.s32 s9, $0x1;
	s9 =	sadd.s32 $0xFFFFFFFF, s9;
	[sflag:s3] =	ssyncadd.s32 $0xFFFFC000  }
0x15: {  	[tilespmem:s2], [sflag:$0x2] =	stream.linear.gather [hbm4b:s4+s2], $0x80, $0x38;
	[tilespmem:$0x4080] =	vst v63  }
0x16: {  	_ =	swait.ge [sflag:s3], $0x80  }
0x17: {  	[sflag:s3] =	ssyncset.done $0x0  }
0x18: {  	[sflag:s3] =	ssyncadd.s32 $0xFFFFFF80  }
0x19: {  	[tilespmem:s6], [sflag:$0x1] =	stream.indirect.gather [hbm4b:s5+s6], $0x80, s2, s6, $0xb8;
	[tilespmem:$0x4080] =	vst v63  }
0x1a: {  	_ =	swait.ge [sflag:s7], $0x4000  }
.Ltmp1:
0x1b: {  	[sflag:s7] =	ssyncset.done $0x0;
	(pc) =	sbr.rel @p0 .LBB2_1-.Ltmp1, $4  }
0x1c: {  	[sflag:s7] =	ssyncadd.s32 $0xFFFFC000  }
0x1d: {  	[hbm4b:s8+s2] =	stream.linear.scatter [tilespmem:s6], [sflag:$0x2], $0x4000, $0x38;
	[tilespmem:$0x4080] =	vst v63  }
0x1e: {  	_ =	swait.ge [sflag:s3], $0x4000  }
0x1f: {  	[sflag:s3] =	ssyncset.done $0x0  }
.LBB2_2:
0x20: {  	[sflag:s3] =	ssyncadd.s32 $0xFFFFC000  }
0x21: {  	_ =	sfence.sel $0x180000  }
0x22: {  	[bflag:$0x0] =	sbarrier.arrive $0xFFFF  }
0x23: {  	p0 =	sne.s32 s0, $0x0;
	_ =	strace $0x90000047  }
0x24: {  	s0 =	sadd.s32 @!p0 $0x100000, s1;
	[bflag:$0x2] =	sbarrier.arrive $0xFFFF  }
0x25: {  	[sflag:s0] =	ssyncadd.tile.s32 @!p0 $0x1;
	_ =	shalt  }
.Lfunc_end2:
_tile_overlayer_lowered:
.L_overlay_start_2:
0x26: {  	(tag) =	ssettag $0x2  }
0x27: {  	s0 =	rddreg [dreg:$0x0];
	s2 =	stileid.u32  }
0x28: {  	s1 =	rddreg [dreg:$0x1];
	p0 =	sne.s32 s2, $0x0  }
0x29: {  	s3 =	rddreg [dreg:$0x2];
	[bflag:$0x3] =	sbarrier.arrive $0xFFFF;
	s2 =	simm.s32 @!p0 $0x1C02  }
0x2a: {  	[timem:s3], [sflag:s2] =	dma.local @!p0 [hbm:s0], s1  }
0x2b: {  	s0 =	simm.s32 @!p0 $0x2  }
0x2c: {  	_ =	swait.ge @!p0 [sflag:s0], s1  }
0x2d: {  	s1 =	ssub.s32 @!p0 $0x0, s1;
	[sflag:s0] =	ssyncset.done @!p0 $0x0  }
0x2e: {  	[sflag:s0] =	ssyncadd.s32 @!p0 s1  }
0x2f: {  	[bflag:$0x3] =	sbarrier.arrive $0xFFFF  }
0x30: {  	_ =	shalt  }

</sc_bundles>
